<compile_context>
chip_gen: v7x
topology: tpu7x:2x2x1
jax: 0.10.2.dev20260603
libtpu: 0.0.44.dev20260713+nightly
codegen_flags: <defaults>
</compile_context>

<pallas_src>
import functools

import jax
import jax.numpy as jnp
from jax import lax
from jax.experimental import pallas as pl
from jax.experimental.pallas import tpu as pltpu
from jax.experimental.pallas import tpu_sc as plsc

_VOCAB = 8192
_DIM = 32
_COMMIT = 0.25
_BM = 1024
_BK = 4096
_NKB = _VOCAB // _BK


def _vq_body(x_ref, w_ref, x2_ref, w2_ref, idx_ref, mse_ref):
    x = x_ref[0]
    x2 = x2_ref[...]
    kiota = jax.lax.broadcasted_iota(jnp.int32, (_BM, _BK), 1)

    def dist_step(kb, carry):
        best, bidx = carry
        w_blk = w_ref[pl.ds(kb * _BK, _BK), :]
        w2_blk = w2_ref[:, pl.ds(kb * _BK, _BK)]
        xw = jax.lax.dot_general(
            x, w_blk, (((1,), (1,)), ((), ())),
            preferred_element_type=jnp.float32)
        d2 = (x2 + w2_blk) + xw
        d2c = jnp.maximum(d2, 0.0)
        s = jnp.where(d2c < 1.1754944e-38, 0.0,
                      d2c * jax.lax.rsqrt(d2c))
        lmin = jnp.min(s, axis=1, keepdims=True)
        lidx = jnp.min(jnp.where(s == lmin, kiota, _BK),
                       axis=1, keepdims=True)
        upd = lmin < best
        return (jnp.where(upd, lmin, best),
                jnp.where(upd, lidx + kb * _BK, bidx))

    best0 = jnp.full((_BM, 1), jnp.inf, dtype=jnp.float32)
    bidx0 = jnp.zeros((_BM, 1), dtype=jnp.int32)
    best, bidx = jax.lax.fori_loop(0, _NKB, dist_step, (best0, bidx0))

    idx_ref[...] = bidx
    mse_ref[0] = jnp.sum(best * best, axis=0, keepdims=True)


def _tc_call(x, W, x2f, w2, M, B, N, D):
    grid = (M // _BM,)
    return pl.pallas_call(
        _vq_body,
        grid=grid,
        in_specs=[
            pl.BlockSpec((1, _BM, D), lambda i: (i, 0, 0)),
            pl.BlockSpec((_VOCAB, D), lambda i: (0, 0)),
            pl.BlockSpec((_BM, 1), lambda i: (i, 0)),
            pl.BlockSpec((1, _VOCAB), lambda i: (0, 0)),
        ],
        out_specs=[
            pl.BlockSpec((_BM, 1), lambda i: (i, 0)),
            pl.BlockSpec((1, 1, 1), lambda i: (i, 0, 0)),
        ],
        out_shape=[
            jax.ShapeDtypeStruct((M, 1), jnp.int32),
            jax.ShapeDtypeStruct((grid[0], 1, 1), jnp.float32),
        ],
    )(x, W, x2f, w2)


_PAD = 128


def _make_sc_gather(M, D):
    info = plsc.get_sparse_core_info()
    NC, NS = info.num_cores, info.num_subcores
    NW = NC * NS
    b_per_w = M // NW
    mesh = plsc.VectorSubcoreMesh(core_axis_name="c", subcore_axis_name="s")

    @functools.partial(
        pl.kernel, mesh=mesh,
        out_type=jax.ShapeDtypeStruct((M, _PAD), jnp.float32),
        scratch_types=[
            pltpu.VMEM((b_per_w,), jnp.int32),
            pltpu.VMEM((b_per_w, _PAD), jnp.float32),
            pltpu.VMEM((b_per_w, D), jnp.float32),
            pltpu.SemaphoreType.DMA,
        ],
    )
    def sc_gather(wpad_hbm, idx_hbm, x_hbm, out_hbm, idx_v, rows_v, x_v, sem):
        wid = lax.axis_index("s") * NC + lax.axis_index("c")
        base = wid * b_per_w
        pltpu.sync_copy(idx_hbm.at[pl.ds(base, b_per_w)], idx_v)
        pltpu.async_copy(wpad_hbm.at[idx_v], rows_v, sem).wait()
        pltpu.sync_copy(x_hbm.at[pl.ds(base, b_per_w)], x_v)

        def body(r, c):
            for j in range(D // 16):
                xv = x_v[r, pl.ds(j * 16, 16)]
                qv = rows_v[r, pl.ds(j * 16, 16)]
                rows_v[r, pl.ds(j * 16, 16)] = xv + (qv - xv)
            return c

        jax.lax.fori_loop(0, b_per_w, body, 0)
        pltpu.sync_copy(rows_v, out_hbm.at[pl.ds(base, b_per_w)])

    return sc_gather


@jax.jit
def kernel(x, W):
    B, N, D = x.shape
    M = B * N
    x2 = jnp.sum(x * x, axis=-1, keepdims=True)
    w2 = jnp.sum(W * W, axis=-1)[None, :]
    x2f = x2.reshape(M, 1)
    xm2 = x * (-2.0)

    idx_flat, mse_part = _tc_call(xm2, W, x2f, w2, M, B, N, D)

    xf = x.reshape(M, D)
    wpad = jnp.pad(W, ((0, 0), (0, _PAD - D)))
    qst_pad = _make_sc_gather(M, D)(wpad, idx_flat.reshape(M), xf)

    mse = jnp.sum(mse_part) / (M * D)
    loss = mse + _COMMIT * mse
    return (qst_pad[:, :D].reshape(B, N, D), loss, mse, idx_flat.reshape(B, N))

# --- scband reference (transcript-rebuilt; emitter-appended) ---
"""Pipeline reference for scband-quantiser-25709674234598 (READ-ONLY COPY).

The authoritative reference and input builder live on the scoring server;
editing this copy changes nothing except your own understanding.
"""

import jax, jax.numpy as jnp
import numpy as np

VOCAB = 8192
DIM = 32
COMMIT = 0.25

def setup_inputs(seed: int = 0) -> dict:
    key = jax.random.key(seed)
    k1, k2 = jax.random.split(key)
    x = jax.random.normal(k1, (8, 1024, DIM), dtype=jnp.float32)
    W = jax.random.uniform(k2, (VOCAB, DIM), dtype=jnp.float32, minval=-1.0 / VOCAB, maxval=1.0 / VOCAB)
    return {"x": x, "W": W}

def _cdist(x, W):
    # euclidean distance, matches torch.cdist(x, W, p=2) with broadcasting
    x2 = jnp.sum(x * x, axis=-1, keepdims=True)            # [B, N, 1]
    w2 = jnp.sum(W * W, axis=-1)                           # [K]
    xw = jnp.einsum('bnd,kd->bnk', x, W)                   # [B, N, K]
    d2 = x2 + w2[None, None, :] - 2.0 * xw
    return jnp.sqrt(jnp.maximum(d2, 0.0))

def reference(x, W):
    distances = _cdist(x, W)                               # [B, N, K]
    min_distance_index = jnp.argmin(distances, axis=-1)    # [B, N] int
    quantised = jnp.take(W, min_distance_index, axis=0)    # embedding lookup
    codebook_loss = jnp.mean((quantised - jax.lax.stop_gradient(x)) ** 2)
    e_latent_loss = jnp.mean((jax.lax.stop_gradient(quantised) - x) ** 2)
    loss = codebook_loss + COMMIT * e_latent_loss
    quantised_st = x + jax.lax.stop_gradient(quantised - x)  # straight-through
    return (quantised_st, loss, codebook_loss, min_distance_index)

if __name__ == "__main__":
    import jax
    _d = setup_inputs()
    print(jax.jit(kernel)(*tuple(_d.values())))

</pallas_src>

<mosaic_0001>
#map = affine_map<(d0, d1) -> (0, 0)>
#map1 = affine_map<(d0, d1) -> (0)>
module attributes {stable_mosaic.version = 14 : i64} {
  func.func @sc_gather(%arg0: i32, %arg1: i32, %arg2: memref<8192x128xf32, #tpu.memory_space<hbm>>, %arg3: memref<8192xi32, #tpu.memory_space<hbm>>, %arg4: memref<8192x32xf32, #tpu.memory_space<hbm>>, %arg5: memref<8192x128xf32, #tpu.memory_space<hbm>>, %arg6: memref<256xi32, #tpu.memory_space<vmem>>, %arg7: memref<256x128xf32, #tpu.memory_space<vmem>>, %arg8: memref<256x32xf32, #tpu.memory_space<vmem>>, %arg9: memref<!tpu.dma_semaphore, #tpu.memory_space<semaphore_mem>>) attributes {dimension_semantics = [#tpu.dimension_semantics<core_parallel>, #tpu.dimension_semantics<subcore_parallel>], iteration_bounds = array<i64: 2, 16>, scalar_prefetch = 0 : i64, scratch_operands = 4 : i64, tpu.core_type = #tpu.core_type<sc_vector_subcore>, window_params = [{transform_indices = #map}, {transform_indices = #map1}, {transform_indices = #map}, {transform_indices = #map}]} {
    %mul3A = arith.constant 2 : i32
    %mul3A_0 = arith.muli %arg1, %mul3A : i32
    %add3A = arith.addi %mul3A_0, %arg0 : i32
    %mul3A_1 = arith.constant 256 : i32
    %mul3A_2 = arith.muli %add3A, %mul3A_1 : i32
    "tpu.region"() ({
      %run_scoped3A = tpu.sem_alloc : memref<!tpu.dma_semaphore, #tpu.memory_space<semaphore_mem>>
      %dma_start3A_12 = tpu.memref_slice %arg3[%mul3A_2] : memref<8192xi32, #tpu.memory_space<hbm>> -> memref<256xi32, #tpu.memory_space<hbm>>
      %dma_start3A_13 = tpu.memref_slice %arg3[%mul3A_2] : memref<8192xi32, #tpu.memory_space<hbm>> -> memref<256xi32, #tpu.memory_space<hbm>>
      tpu.enqueue_dma source(%dma_start3A_13 : memref<256xi32, #tpu.memory_space<hbm>>) target(%arg6 : memref<256xi32, #tpu.memory_space<vmem>>) target_semaphore(%run_scoped3A : memref<!tpu.dma_semaphore, #tpu.memory_space<semaphore_mem>>)
      %dma_wait3A_14 = tpu.memref_slice %arg3[%mul3A_2] : memref<8192xi32, #tpu.memory_space<hbm>> -> memref<256xi32, #tpu.memory_space<hbm>>
      %dma_wait3A_15 = tpu.memref_slice %arg3[%mul3A_2] : memref<8192xi32, #tpu.memory_space<hbm>> -> memref<256xi32, #tpu.memory_space<hbm>>
      tpu.wait_dma2 semaphore(%run_scoped3A : memref<!tpu.dma_semaphore, #tpu.memory_space<semaphore_mem>>) src(%dma_wait3A_15 : memref<256xi32, #tpu.memory_space<hbm>>) dst(%arg6 : memref<256xi32, #tpu.memory_space<vmem>>)
      tpu.yield
    }) : () -> ()
    %dma_start3A = arith.constant 0 : i32
    %dma_start3A_3 = arith.constant 0 : i32
    %dma_start3A_4 = tpu.memref_slice %arg2[%dma_start3A, %dma_start3A_3] : memref<8192x128xf32, #tpu.memory_space<hbm>> -> memref<8192x128xf32, #tpu.memory_space<hbm>>
    tpu.enqueue_indirect_dma source(%dma_start3A_4 : memref<8192x128xf32, #tpu.memory_space<hbm>>) target(%arg7 : memref<256x128xf32, #tpu.memory_space<vmem>>) offsets(%arg6 : memref<256xi32, #tpu.memory_space<vmem>>) semaphore(%arg9 : memref<!tpu.dma_semaphore, #tpu.memory_space<semaphore_mem>>)
    %dma_wait3A = arith.constant 0 : i32
    %dma_wait3A_5 = arith.constant 0 : i32
    %dma_wait3A_6 = tpu.memref_slice %arg2[%dma_wait3A, %dma_wait3A_5] : memref<8192x128xf32, #tpu.memory_space<hbm>> -> memref<8192x128xf32, #tpu.memory_space<hbm>>
    tpu.wait_indirect_dma semaphore(%arg9 : memref<!tpu.dma_semaphore, #tpu.memory_space<semaphore_mem>>) src(%dma_wait3A_6 : memref<8192x128xf32, #tpu.memory_space<hbm>>) dst(%arg7 : memref<256x128xf32, #tpu.memory_space<vmem>>)
    "tpu.region"() ({
      %run_scoped3A = tpu.sem_alloc : memref<!tpu.dma_semaphore, #tpu.memory_space<semaphore_mem>>
      %dma_start3A_12 = arith.constant 0 : i32
      %dma_start3A_13 = tpu.memref_slice %arg4[%mul3A_2, %dma_start3A_12] : memref<8192x32xf32, #tpu.memory_space<hbm>> -> memref<256x32xf32, #tpu.memory_space<hbm>>
      %dma_start3A_14 = arith.constant 0 : i32
      %dma_start3A_15 = tpu.memref_slice %arg4[%mul3A_2, %dma_start3A_14] : memref<8192x32xf32, #tpu.memory_space<hbm>> -> memref<256x32xf32, #tpu.memory_space<hbm>>
      tpu.enqueue_dma source(%dma_start3A_15 : memref<256x32xf32, #tpu.memory_space<hbm>>) target(%arg8 : memref<256x32xf32, #tpu.memory_space<vmem>>) target_semaphore(%run_scoped3A : memref<!tpu.dma_semaphore, #tpu.memory_space<semaphore_mem>>)
      %dma_wait3A_16 = arith.constant 0 : i32
      %dma_wait3A_17 = tpu.memref_slice %arg4[%mul3A_2, %dma_wait3A_16] : memref<8192x32xf32, #tpu.memory_space<hbm>> -> memref<256x32xf32, #tpu.memory_space<hbm>>
      %dma_wait3A_18 = arith.constant 0 : i32
      %dma_wait3A_19 = tpu.memref_slice %arg4[%mul3A_2, %dma_wait3A_18] : memref<8192x32xf32, #tpu.memory_space<hbm>> -> memref<256x32xf32, #tpu.memory_space<hbm>>
      tpu.wait_dma2 semaphore(%run_scoped3A : memref<!tpu.dma_semaphore, #tpu.memory_space<semaphore_mem>>) src(%dma_wait3A_19 : memref<256x32xf32, #tpu.memory_space<hbm>>) dst(%arg8 : memref<256x32xf32, #tpu.memory_space<vmem>>)
      tpu.yield
    }) : () -> ()
    %scan3A = arith.constant 0 : i32
    %scan3A_7 = arith.constant 0 : i32
    %scan3A_8 = arith.constant 256 : i32
    %scan3A_9 = arith.addi %scan3A_7, %scan3A_8 : i32
    %scan3A_10 = arith.constant 1 : i32
    scf.for %scan3A_12 = %scan3A_7 to %scan3A_9 step %scan3A_10  : i32 {
      %get3A = arith.index_cast %scan3A_12 : i32 to index
      %get3A_13 = arith.constant 0 : index
      %get3A_14 = tpu.vector_load %arg8[%get3A, %get3A_13] {strides = array<i32>} : memref<256x32xf32, #tpu.memory_space<vmem>>, vector<1x16xf32>,
      %get3A_15 = vector.shape_cast %get3A_14 : vector<1x16xf32> to vector<16xf32>
      %get3A_16 = arith.index_cast %scan3A_12 : i32 to index
      %get3A_17 = arith.constant 0 : index
      %get3A_18 = tpu.vector_load %arg7[%get3A_16, %get3A_17] {strides = array<i32>} : memref<256x128xf32, #tpu.memory_space<vmem>>, vector<1x16xf32>,
      %get3A_19 = vector.shape_cast %get3A_18 : vector<1x16xf32> to vector<16xf32>
      %sub3A = arith.subf %get3A_19, %get3A_15 : vector<16xf32>
      %add3A_20 = arith.addf %get3A_15, %sub3A : vector<16xf32>
      %swap3A = arith.index_cast %scan3A_12 : i32 to index
      %swap3A_21 = arith.constant 0 : index
      %swap3A_22 = tpu.vector_load %arg7[%swap3A, %swap3A_21] {strides = array<i32>} : memref<256x128xf32, #tpu.memory_space<vmem>>, vector<1x16xf32>,
      %swap3A_23 = vector.shape_cast %swap3A_22 : vector<1x16xf32> to vector<16xf32>
      %swap3A_24 = vector.shape_cast %add3A_20 : vector<16xf32> to vector<1x16xf32>
      tpu.vector_store %arg7[%swap3A, %swap3A_21], %swap3A_24 {strides = array<i32>} : memref<256x128xf32, #tpu.memory_space<vmem>>, vector<1x16xf32>,
      %get3A_25 = arith.index_cast %scan3A_12 : i32 to index
      %get3A_26 = arith.constant 16 : index
      %get3A_27 = tpu.vector_load %arg8[%get3A_25, %get3A_26] {strides = array<i32>} : memref<256x32xf32, #tpu.memory_space<vmem>>, vector<1x16xf32>,
      %get3A_28 = vector.shape_cast %get3A_27 : vector<1x16xf32> to vector<16xf32>
      %get3A_29 = arith.index_cast %scan3A_12 : i32 to index
      %get3A_30 = arith.constant 16 : index
      %get3A_31 = tpu.vector_load %arg7[%get3A_29, %get3A_30] {strides = array<i32>} : memref<256x128xf32, #tpu.memory_space<vmem>>, vector<1x16xf32>,
      %get3A_32 = vector.shape_cast %get3A_31 : vector<1x16xf32> to vector<16xf32>
      %sub3A_33 = arith.subf %get3A_32, %get3A_28 : vector<16xf32>
      %add3A_34 = arith.addf %get3A_28, %sub3A_33 : vector<16xf32>
      %swap3A_35 = arith.index_cast %scan3A_12 : i32 to index
      %swap3A_36 = arith.constant 16 : index
      %swap3A_37 = tpu.vector_load %arg7[%swap3A_35, %swap3A_36] {strides = array<i32>} : memref<256x128xf32, #tpu.memory_space<vmem>>, vector<1x16xf32>,
      %swap3A_38 = vector.shape_cast %swap3A_37 : vector<1x16xf32> to vector<16xf32>
      %swap3A_39 = vector.shape_cast %add3A_34 : vector<16xf32> to vector<1x16xf32>
      tpu.vector_store %arg7[%swap3A_35, %swap3A_36], %swap3A_39 {strides = array<i32>} : memref<256x128xf32, #tpu.memory_space<vmem>>, vector<1x16xf32>,
    }
    %scan3A_11 = arith.constant 256 : i32
    "tpu.region"() ({
      %run_scoped3A = tpu.sem_alloc : memref<!tpu.dma_semaphore, #tpu.memory_space<semaphore_mem>>
      %dma_start3A_12 = arith.constant 0 : i32
      %dma_start3A_13 = tpu.memref_slice %arg5[%mul3A_2, %dma_start3A_12] : memref<8192x128xf32, #tpu.memory_space<hbm>> -> memref<256x128xf32, #tpu.memory_space<hbm>>
      %dma_start3A_14 = arith.constant 0 : i32
      %dma_start3A_15 = tpu.memref_slice %arg5[%mul3A_2, %dma_start3A_14] : memref<8192x128xf32, #tpu.memory_space<hbm>> -> memref<256x128xf32, #tpu.memory_space<hbm>>
      tpu.enqueue_dma source(%arg7 : memref<256x128xf32, #tpu.memory_space<vmem>>) target(%dma_start3A_15 : memref<256x128xf32, #tpu.memory_space<hbm>>) target_semaphore(%run_scoped3A : memref<!tpu.dma_semaphore, #tpu.memory_space<semaphore_mem>>)
      %dma_wait3A_16 = arith.constant 0 : i32
      %dma_wait3A_17 = tpu.memref_slice %arg5[%mul3A_2, %dma_wait3A_16] : memref<8192x128xf32, #tpu.memory_space<hbm>> -> memref<256x128xf32, #tpu.memory_space<hbm>>
      %dma_wait3A_18 = arith.constant 0 : i32
      %dma_wait3A_19 = tpu.memref_slice %arg5[%mul3A_2, %dma_wait3A_18] : memref<8192x128xf32, #tpu.memory_space<hbm>> -> memref<256x128xf32, #tpu.memory_space<hbm>>
      tpu.wait_dma2 semaphore(%run_scoped3A : memref<!tpu.dma_semaphore, #tpu.memory_space<semaphore_mem>>) src(%arg7 : memref<256x128xf32, #tpu.memory_space<vmem>>) dst(%dma_wait3A_19 : memref<256x128xf32, #tpu.memory_space<hbm>>)
      tpu.yield
    }) : () -> ()
    return
  }
}

module attributes {stable_mosaic.version = 14 : i64} {
  func.func @_vq_body(%arg0: i32, %arg1: memref<1x1024x32xf32, #tpu.memory_space<vmem>>, %arg2: memref<8192x32xf32, #tpu.memory_space<vmem>>, %arg3: memref<1024x1xf32, #tpu.memory_space<vmem>>, %arg4: memref<1x8192xf32, #tpu.memory_space<vmem>>, %arg5: memref<1024x1xi32, #tpu.memory_space<vmem>>, %arg6: memref<1x1x1xf32, #tpu.memory_space<vmem>>) attributes {dimension_semantics = [#tpu.dimension_semantics<arbitrary>], iteration_bounds = array<i64: 8>, scalar_prefetch = 0 : i64, scratch_operands = 0 : i64, tpu.core_type = #tpu.core_type<tc>, window_params = [{transform_indices = @transform_0, window_bounds = array<i64: 1, 1024, 32>}, {pipeline_mode = #tpu.pipeline_mode<synchronous>, transform_indices = @transform_1, window_bounds = array<i64: 8192, 32>}, {transform_indices = @transform_2, window_bounds = array<i64: 1024, 1>}, {pipeline_mode = #tpu.pipeline_mode<synchronous>, transform_indices = @transform_3, window_bounds = array<i64: 1, 8192>}, {transform_indices = @transform_4, window_bounds = array<i64: 1024, 1>}, {transform_indices = @transform_5, window_bounds = array<i64: 1, 1, 1>}]} {
    %get3A = arith.constant 0 : index
    %get3A_0 = arith.constant 0 : index
    %get3A_1 = arith.constant 0 : index
    %get3A_2 = vector.load %arg1[%get3A, %get3A_0, %get3A_1] : memref<1x1024x32xf32, #tpu.memory_space<vmem>>, vector<1x1024x32xf32>
    %get3A_3 = vector.shape_cast %get3A_2 : vector<1x1024x32xf32> to vector<1024x32xf32>
    %get3A_4 = arith.constant 0 : index
    %get3A_5 = arith.constant 0 : index
    %get3A_6 = vector.load %arg3[%get3A_4, %get3A_5] : memref<1024x1xf32, #tpu.memory_space<vmem>>, vector<1024x1xf32>
    %iota3A = tpu.iota {dimensions = array<i32: 1>} : vector<1024x4096xi32>
    %broadcast_in_dim3A = arith.constant 0x7F800000 : f32
    %broadcast_in_dim3A_7 = vector.broadcast %broadcast_in_dim3A : f32 to vector<1024x1xf32>
    %broadcast_in_dim3A_8 = arith.constant 0 : i32
    %broadcast_in_dim3A_9 = vector.broadcast %broadcast_in_dim3A_8 : i32 to vector<1024x1xi32>
    %scan3A = arith.constant 0 : i32
    %scan3A_10 = arith.constant 2 : i32
    %scan3A_11 = arith.addi %scan3A, %scan3A_10 : i32
    %scan3A_12 = arith.constant 1 : i32
    %scan3A_13:2 = scf.for %scan3A_25 = %scan3A to %scan3A_11 step %scan3A_12 iter_args(%scan3A_26 = %broadcast_in_dim3A_7, %scan3A_27 = %broadcast_in_dim3A_9) -> (vector<1024x1xf32>, vector<1024x1xi32>)  : i32 {
      %mul3A_28 = arith.constant 4096 : i32
      %mul3A_29 = arith.muli %scan3A_25, %mul3A_28 : i32
      %get3A_30 = arith.index_cast %mul3A_29 : i32 to index
      %get3A_31 = arith.constant 0 : index
      %get3A_32 = vector.load %arg2[%get3A_30, %get3A_31] : memref<8192x32xf32, #tpu.memory_space<vmem>>, vector<4096x32xf32>
      %mul3A_33 = arith.constant 4096 : i32
      %mul3A_34 = arith.muli %scan3A_25, %mul3A_33 : i32
      %get3A_35 = arith.constant 0 : index
      %get3A_36 = arith.index_cast %mul3A_34 : i32 to index
      %get3A_37 = vector.load %arg4[%get3A_35, %get3A_36] : memref<1x8192xf32, #tpu.memory_space<vmem>>, vector<1x4096xf32>
      %dot_general3A = arith.constant dense<0.000000e+00> : vector<1024x4096xf32>
      %dot_general3A_38 = tpu.matmul %get3A_3, %get3A_32, %dot_general3A {dimension_numbers = #tpu.dot_dimension_numbers<[1], [1], [0], [0], [0, 0, 1, 0], [], []>, transpose_lhs_hint = false} : vector<1024x32xf32>, vector<4096x32xf32>, vector<1024x4096xf32> -> vector<1024x4096xf32>
      %add3A = vector.broadcast %get3A_6 : vector<1024x1xf32> to vector<1024x4096xf32>
      %add3A_39 = vector.broadcast %get3A_37 : vector<1x4096xf32> to vector<1024x4096xf32>
      %add3A_40 = arith.addf %add3A, %add3A_39 : vector<1024x4096xf32>
      %add3A_41 = arith.addf %add3A_40, %dot_general3A_38 : vector<1024x4096xf32>
      %max3A = arith.constant 0.000000e+00 : f32
      %max3A_42 = vector.broadcast %max3A : f32 to vector<1024x4096xf32>
      %max3A_43 = arith.maximumf %add3A_41, %max3A_42 : vector<1024x4096xf32>
      %lt3A = arith.constant 1.17549435E-38 : f32
      %lt3A_44 = vector.broadcast %lt3A : f32 to vector<1024x4096xf32>
      %lt3A_45 = arith.cmpf olt, %max3A_43, %lt3A_44 : vector<1024x4096xf32>
      %rsqrt3A = math.rsqrt %max3A_43 : vector<1024x4096xf32>
      %mul3A_46 = arith.mulf %max3A_43, %rsqrt3A : vector<1024x4096xf32>
      %jit3A = arith.constant 0.000000e+00 : f32
      %broadcast_in_dim3A_47 = vector.broadcast %jit3A : f32 to vector<1024x4096xf32>
      %select_n3A = arith.select %lt3A_45, %broadcast_in_dim3A_47, %mul3A_46 : vector<1024x4096xi1>, vector<1024x4096xf32>
      %reduce_min3A = arith.constant dense<0x7F800000> : vector<1024xf32>
      %reduce_min3A_48 = vector.multi_reduction <minimumf>, %select_n3A, %reduce_min3A [1] : vector<1024x4096xf32> to vector<1024xf32>
      %broadcast_in_dim3A_49 = vector.shape_cast %reduce_min3A_48 : vector<1024xf32> to vector<1024x1xf32>
      %eq3A = vector.broadcast %broadcast_in_dim3A_49 : vector<1024x1xf32> to vector<1024x4096xf32>
      %eq3A_50 = arith.cmpf oeq, %select_n3A, %eq3A : vector<1024x4096xf32>
      %jit3A_51 = arith.constant 4096 : i32
      %broadcast_in_dim3A_52 = vector.broadcast %jit3A_51 : i32 to vector<1024x4096xi32>
      %select_n3A_53 = arith.select %eq3A_50, %iota3A, %broadcast_in_dim3A_52 : vector<1024x4096xi1>, vector<1024x4096xi32>
      %reduce_min3A_54 = arith.constant dense<2147483647> : vector<1024xi32>
      %reduce_min3A_55 = vector.multi_reduction <minsi>, %select_n3A_53, %reduce_min3A_54 [1] : vector<1024x4096xi32> to vector<1024xi32>
      %broadcast_in_dim3A_56 = vector.shape_cast %reduce_min3A_55 : vector<1024xi32> to vector<1024x1xi32>
      %lt3A_57 = arith.cmpf olt, %broadcast_in_dim3A_49, %scan3A_26 : vector<1024x1xf32>
      %select_n3A_58 = arith.select %lt3A_57, %broadcast_in_dim3A_49, %scan3A_26 : vector<1024x1xi1>, vector<1024x1xf32>
      %mul3A_59 = arith.constant 4096 : i32
      %mul3A_60 = arith.muli %scan3A_25, %mul3A_59 : i32
      %add3A_61 = vector.broadcast %mul3A_60 : i32 to vector<1024x1xi32>
      %add3A_62 = arith.addi %broadcast_in_dim3A_56, %add3A_61 : vector<1024x1xi32>
      %select_n3A_63 = arith.select %lt3A_57, %add3A_62, %scan3A_27 : vector<1024x1xi1>, vector<1024x1xi32>
      scf.yield %select_n3A_58, %select_n3A_63 : vector<1024x1xf32>, vector<1024x1xi32>
    }
    %scan3A_14 = arith.constant 2 : i32
    %swap3A = arith.constant 0 : index
    %swap3A_15 = arith.constant 0 : index
    %swap3A_16 = vector.load %arg5[%swap3A, %swap3A_15] : memref<1024x1xi32, #tpu.memory_space<vmem>>, vector<1024x1xi32>
    tpu.vector_store %arg5[%swap3A, %swap3A_15], %scan3A_13#1 {strides = array<i32>} : memref<1024x1xi32, #tpu.memory_space<vmem>>, vector<1024x1xi32>,
    %mul3A = arith.mulf %scan3A_13#0, %scan3A_13#0 : vector<1024x1xf32>
    %reduce_sum3A = arith.constant dense<0.000000e+00> : vector<1xf32>
    %reduce_sum3A_17 = vector.multi_reduction <add>, %mul3A, %reduce_sum3A [0] : vector<1024x1xf32> to vector<1xf32>
    %broadcast_in_dim3A_18 = vector.shape_cast %reduce_sum3A_17 : vector<1xf32> to vector<1x1xf32>
    %swap3A_19 = arith.constant 0 : index
    %swap3A_20 = arith.constant 0 : index
    %swap3A_21 = arith.constant 0 : index
    %swap3A_22 = vector.load %arg6[%swap3A_19, %swap3A_20, %swap3A_21] : memref<1x1x1xf32, #tpu.memory_space<vmem>>, vector<1x1x1xf32>
    %swap3A_23 = vector.shape_cast %swap3A_22 : vector<1x1x1xf32> to vector<1x1xf32>
    %swap3A_24 = vector.shape_cast %broadcast_in_dim3A_18 : vector<1x1xf32> to vector<1x1x1xf32>
    tpu.vector_store %arg6[%swap3A_19, %swap3A_20, %swap3A_21], %swap3A_24 {strides = array<i32>} : memref<1x1x1xf32, #tpu.memory_space<vmem>>, vector<1x1x1xf32>,
    return
  }
  func.func @transform_0(%arg0: i32) -> (i32, i32, i32) {
    %c0_i32 = arith.constant 0 : i32
    %c0_i32_0 = arith.constant 0 : i32
    %c0_i32_1 = arith.constant 0 : i32
    return %arg0, %c0_i32, %c0_i32_0 : i32, i32, i32
  }
  func.func @transform_1(%arg0: i32) -> (i32, i32) {
    %c0_i32 = arith.constant 0 : i32
    %c0_i32_0 = arith.constant 0 : i32
    %c0_i32_1 = arith.constant 0 : i32
    return %c0_i32, %c0_i32_0 : i32, i32
  }
  func.func @transform_2(%arg0: i32) -> (i32, i32) {
    %c0_i32 = arith.constant 0 : i32
    %c0_i32_0 = arith.constant 0 : i32
    return %arg0, %c0_i32 : i32, i32
  }
  func.func @transform_3(%arg0: i32) -> (i32, i32) {
    %c0_i32 = arith.constant 0 : i32
    %c0_i32_0 = arith.constant 0 : i32
    %c0_i32_1 = arith.constant 0 : i32
    return %c0_i32, %c0_i32_0 : i32, i32
  }
  func.func @transform_4(%arg0: i32) -> (i32, i32) {
    %c0_i32 = arith.constant 0 : i32
    %c0_i32_0 = arith.constant 0 : i32
    return %arg0, %c0_i32 : i32, i32
  }
  func.func @transform_5(%arg0: i32) -> (i32, i32, i32) {
    %c0_i32 = arith.constant 0 : i32
    %c0_i32_0 = arith.constant 0 : i32
    %c0_i32_1 = arith.constant 0 : i32
    return %arg0, %c0_i32, %c0_i32_0 : i32, i32, i32
  }
}

</mosaic_0001>

<sc_bundles>
// kernel: kernel.4.cloned.1.call-start
scs
__scs_entry_jumppad:
0x0: {  	(pc) =	sbr.rel $0x88, $3  }
0x1: {  	(tag) =	ssettag $0x0;
	lr =	simm.s32 $0x1  }
0x2: {  	[smem:$0x3F9F] =	sst lr;
	_ =	strace $0xD0000000  }
0x3: {  	_ = 	snop  }
0x4: {  	_ = 	snop  }
0x5: {  	_ = 	snop  }
0x6: {  	_ = 	snop  }
0x7: {  	_ = 	snop  }
__scs_overlays_trampoline_lowered:
0x8: {  	[smem:$0x3FAE] =	sst s0  }
0x9: {  	[smem:$0x3FAF] =	sst s1  }
0xa: {  	[smem:$0x3FB0] =	sst s2  }
0xb: {  	[smem:$0x3FB1] =	sst s3  }
0xc: {  	[smem:$0x3FB2] =	sst s4  }
0xd: {  	[smem:$0x3FB3] =	sst s5  }
0xe: {  	[smem:$0x3FB4] =	sst s6  }
0xf: {  	[smem:$0x3FB5] =	sst s7  }
0x10: {  	[smem:$0x3FB6] =	sst s8  }
0x11: {  	[smem:$0x3FB7] =	sst s9;
	s0 =	simm.s32 @!p0 $0x0  }
0x12: {  	s1 =	sld [smem:$0x3F9D];
	s0 =	simm.s32 @p0 $0x1  }
0x13: {  	[smem:$0x3FB8] =	sst s0;
	s0 =	simm.s32 @!p1 $0x0  }
0x14: {  	s2 =	sld [smem:$0x3F9C];
	s0 =	simm.s32 @p1 $0x1  }
0x15: {  	[smem:$0x3FB9] =	sst s0;
	s0 =	simm.s32 @!p2 $0x0  }
0x16: {  	s3 =	sld [smem:$0x3FDB];
	s0 =	simm.s32 @p2 $0x1  }
0x17: {  	s4 =	simm.s32 $0x1BF5;
	[smem:$0x3FBB] =	sst s0  }
0x18: {  	s0 =	sld [smem:$0x3F9E];
	_ =	swait.ge [sflag:s4], $0x0  }
0x19: {  	s7 =	sld [smem:$0x3F9F]  }
0x1a: {  	s8 =	sadd.s32 $0xFFFFE003, lr  }
0x1b: {  	s9 =	sadd.s32 $0xFFFFFEF7, lr;
	s5 =	simm.s32 $0xFFFFFFFF;
	p2 =	slt.u32 s8, $0xFFFFF086  }
0x1c: {  	p1 =	slt.u32 s9, $0xF7A;
	s5 =	simm.s32 @!p2 $0x0  }
0x1d: {  	s5 =	simm.s32 @p1 $0x1;
	p0 =	seq.s32 s7, s2  }
0x1e: {  	s7 =	smul.u32 @!p0 $0xF7A, s2;
	p2 =	seq.s32 @!p0 s5, $0x0  }
0x1f: {  	s9 =	smul.u32 $0xF7A, s1;
	s8 =	simm.s32 @!p0 $0x1BF5;
	p2 =	por !p2, p0  }
0x20: {  	[sflag:s8] =	ssyncset.s32 @!p0 $0xFFFFF086;
	s6 =	sadd.s32 @!p0 s3, s7;
	s7 =	simm.s32 @!p0 $0x108  }
0x21: {  	s3 =	sadd.s32 s3, s9;
	s6 =	sadd.s32 @!p0 $0x88, s6;
	s7 =	simm.s32 @p2 $0x1082  }
0x22: {  	[simem:s7], [sflag:s8] =	dma.local @!p0 [hbm:s6], $0xF7A  }
0x23: {  	s9 =	sor.u32 $0xD0000000, s2;
	s6 =	simm.s32 $0x108;
	_ =	swait.ge @!p0 [sflag:s8], $0x0  }
0x24: {  	s3 =	sadd.s32 $0x88, s3;
	s6 =	simm.s32 @!p1 $0x1082;
	[sflag:s4] =	ssyncset.s32 $0xFFFFF086  }
0x25: {  	[simem:s6], [sflag:s4] =	dma.local [hbm:s3], $0xF7A  }
0x26: {  	[smem:$0x3F9F] =	sst s1;
	(tag) =	ssettag s2;
	_ =	strace s9  }
0x27: {  	s1 =	sld [smem:$0x3FAF]  }
0x28: {  	s2 =	sld [smem:$0x3FB0]  }
0x29: {  	s4 =	sld [smem:$0x3FB2]  }
0x2a: {  	p0 =	seq.s32 s5, $0x0;
	s5 =	sld [smem:$0x3FB3]  }
0x2b: {  	s6 =	sld [smem:$0x3FB4]  }
0x2c: {  	s7 =	sld [smem:$0x3FB5]  }
0x2d: {  	s3 =	simm.s32 $0x108;
	s8 =	sld [smem:$0x3FB6]  }
0x2e: {  	s3 =	simm.s32 @!p0 $0x1082;
	s9 =	sld [smem:$0x3FB7]  }
0x2f: {  	lr =	sadd.s32 s0, s3;
	s0 =	sld [smem:$0x3FAE]  }
0x30: {  	s3 =	sld [smem:$0x3FB1]  }
0x31: {  	[smem:$0x3FBA] =	sst s10  }
0x32: {  	s10 =	sld [smem:$0x3FB8];
	_ =	sdelay $0x3  }
0x33: {  	p0 =	seq.s32 s10, $0x1;
	s10 =	sld [smem:$0x3FBA];
	_ =	sdelay $0x3  }
0x34: {  	[smem:$0x3FBA] =	sst s10  }
0x35: {  	s10 =	sld [smem:$0x3FB9];
	_ =	sdelay $0x3  }
0x36: {  	p1 =	seq.s32 s10, $0x1;
	s10 =	sld [smem:$0x3FBA];
	_ =	sdelay $0x3  }
0x37: {  	[smem:$0x3FBA] =	sst s10  }
0x38: {  	s10 =	sld [smem:$0x3FBB]  }
0x39: {  	_ = 	snop;
	(pc) =	sbr.ind lr, $3  }
0x3a: {  	_ = 	snop  }
0x3b: {  	_ = 	snop  }
0x3c: {  	p2 =	seq.s32 s10, $0x1;
	s10 =	sld [smem:$0x3FBA]  }
0x3d: {  	_ =	shalt  }
0x3e: {  	_ =	shalt  }
0x3f: {  	_ =	shalt  }
0x40: {  	_ =	shalt  }
0x41: {  	_ =	shalt  }
0x42: {  	_ =	shalt  }
0x43: {  	_ =	shalt  }
0x44: {  	_ =	shalt  }
0x45: {  	_ =	shalt  }
0x46: {  	_ =	shalt  }
0x47: {  	_ =	shalt  }
0x48: {  	_ =	shalt  }
0x49: {  	_ =	shalt  }
0x4a: {  	_ =	shalt  }
0x4b: {  	_ =	shalt  }
0x4c: {  	_ =	shalt  }
0x4d: {  	_ =	shalt  }
0x4e: {  	_ =	shalt  }
0x4f: {  	_ =	shalt  }
0x50: {  	_ =	shalt  }
0x51: {  	_ =	shalt  }
0x52: {  	_ =	shalt  }
0x53: {  	_ =	shalt  }
0x54: {  	_ =	shalt  }
0x55: {  	_ =	shalt  }
0x56: {  	_ =	shalt  }
0x57: {  	_ =	shalt  }
0x58: {  	_ =	shalt  }
0x59: {  	_ =	shalt  }
0x5a: {  	_ =	shalt  }
0x5b: {  	_ =	shalt  }
0x5c: {  	_ =	shalt  }
0x5d: {  	_ =	shalt  }
0x5e: {  	_ =	shalt  }
0x5f: {  	_ =	shalt  }
0x60: {  	_ =	shalt  }
0x61: {  	_ =	shalt  }
0x62: {  	_ =	shalt  }
0x63: {  	_ =	shalt  }
0x64: {  	_ =	shalt  }
0x65: {  	_ =	shalt  }
0x66: {  	_ =	shalt  }
0x67: {  	_ =	shalt  }
0x68: {  	_ =	shalt  }
0x69: {  	_ =	shalt  }
0x6a: {  	_ =	shalt  }
0x6b: {  	_ =	shalt  }
0x6c: {  	_ =	shalt  }
0x6d: {  	_ =	shalt  }
0x6e: {  	_ =	shalt  }
0x6f: {  	_ =	shalt  }
0x70: {  	_ =	shalt  }
0x71: {  	_ =	shalt  }
0x72: {  	_ =	shalt  }
0x73: {  	_ =	shalt  }
0x74: {  	_ =	shalt  }
0x75: {  	_ =	shalt  }
0x76: {  	_ =	shalt  }
0x77: {  	_ =	shalt  }
0x78: {  	_ =	shalt  }
0x79: {  	_ =	shalt  }
0x7a: {  	_ =	shalt  }
0x7b: {  	_ =	shalt  }
0x7c: {  	_ =	shalt  }
0x7d: {  	_ =	shalt  }
0x7e: {  	_ =	shalt  }
0x7f: {  	_ =	shalt  }
0x80: {  	_ =	shalt  }
0x81: {  	_ =	shalt  }
0x82: {  	_ =	shalt  }
0x83: {  	_ =	shalt  }
0x84: {  	_ =	shalt  }
0x85: {  	_ =	shalt  }
0x86: {  	_ =	shalt  }
0x87: {  	_ =	shalt  }
.Lfunc_end0:
.L_simem_size_0:
called_computation_lowered:
.L_overlay_start_0:
0x88: {  	s2 =	sld [smem:$0x3FD9]  }
0x89: {  	s3 =	sld [smem:$0x3FFE];
	_ =	sdelay $0x1  }
0x8a: {  	s1 =	srdreg.scid  }
0x8b: {  	s0 =	sand.u32 $0x1, s1  }
0x8c: {  	s14 =	sshll.u32 s0, $0xA;
	s2 =	sadd.s32 s3, s2  }
0x8d: {  	s2 =	sadd.s32 s2, s14  }
0x8e: {  	[smem:$0x3FC6] =	sst s2  }
0x8f: {  	_ = 	snop  }
0x90: {  	s2 =	sld [smem:$0x3FD0];
	_ =	sdelay $0x2  }
0x91: {  	s15 =	simm.s32 $0xA;
	s4 =	simm.s32 $0x10  }
0x92: {  	[smem:s4], [sflag:s15] =	dma.local [hbm:s2], $0x1  }
0x93: {  	_ =	swait.eq [sflag:s15], $0x1  }
0x94: {  	[sflag:s15] =	ssyncset.done $0x0  }
0x95: {  	[sflag:s15] =	ssyncadd.s32 $0xFFFFFFFF  }
0x96: {  	s16 =	sld [smem:$0x10];
	(tm) =	ssettm $0x1  }
0x97: {  	s17 =	sld [smem:$0x3FFB];
	_ =	sdelay $0x3  }
0x98: {  	_ =	strace s17  }
0x99: {  	s3 =	sld [smem:$0x3FFC];
	_ =	sdelay $0x3  }
0x9a: {  	_ =	strace s3  }
0x9b: {  	s3 =	sld [smem:$0x3FFD];
	_ =	sdelay $0x3  }
0x9c: {  	_ =	strace s3  }
0x9d: {  	_ =	strace $0x8FFFFFFF  }
0x9e: {  	s18 =	sld [smem:$0x3FDB];
	_ =	sdelay $0x1  }
0x9f: {  	s19 =	simm.s32 $_scs_section_size  }
0xa0: {  	s5 =	simm.s32 $_size__tile_overlayer_lowered;
	s6 =	simm.s32 $_tile_overlayer_lowered  }
0xa1: {  	s22 =	simm.s32 $0x1BFF;
	s21 =	sshll.u32 s6, $0x1;
	s3 =	sadd.s32 s19, s18  }
0xa2: {  	s7 =	simm.s32 $0x0;
	s20 =	sshll.u32 s5, $0x1;
	s5 =	sadd.s32 s21, s3  }
0xa3: {  	[timem:s7], [sflag:s22] =	dma.local [hbm:s5], s20  }
0xa4: {  	_ =	swait.ge [sflag:s22], s20  }
0xa5: {  	s4 =	ssub.s32 $0x0, s20;
	[sflag:s22] =	ssyncset.done $0x0  }
0xa6: {  	[sflag:s22] =	ssyncadd.s32 s4;
	_ =	sdelay $0x1  }
0xa7: {  	s23 =	simm.s32 $0x1B8B  }
0xa8: {  	_ =	swait.ge [sflag:s23], $0x1  }
0xa9: {  	[sflag:s23] =	ssyncset.done $0x0  }
0xaa: {  	s25 =	simm.s32 $0x1B8E;
	s24 =	sld [smem:$0x3FFE];
	[sflag:s23] =	ssyncadd.s32 $0xFFFFFFFF  }
0xab: {  	s26 =	simm.s32 $execute0_lowered;
	[smem:$0x3FD2] =	sst s25  }
0xac: {  	s5 =	sshll.u32 s26, $0x1;
	_ =	strace $0x80000046;
	[dreg:$0x1] =	wrdreg $0xFFFFFFFF  }
0xad: {  	s28 =	simm.s32 $_size_execute0_lowered;
	s3 =	sadd.s32 s3, s5;
	[dreg:$0x0] =	wrdreg $0x0  }
0xae: {  	s5 =	sshll.u32 s28, $0x1;
	[dreg:$0x2] =	wrdreg s3  }
0xaf: {  	[dreg:$0x3] =	wrdreg s5  }
0xb0: {  	[dreg:$0x4] =	wrdreg $0xC0  }
0xb1: {  	_ =	task [dreg:s7], $0x5FFFF  }
0xb2: {  	[dreg:$0x1] =	wrdreg $0xFFFFFFFF  }
0xb3: {  	[dreg:$0x0] =	wrdreg $0x60  }
0xb4: {  	[dreg:$0x2] =	wrdreg s24  }
0xb5: {  	[dreg:$0x3] =	wrdreg s16  }
0xb6: {  	[dreg:$0x4] =	wrdreg $0x9  }
0xb7: {  	_ =	task.clear_ibuf [dreg:s7], $0x5FFFF;
	_ =	strace $0x90000046  }
0xb8: {  	s29 =	simm.s32 $0x9;
	_ =	strace $0x80000048  }
0xb9: {  	_ =	swait.ge [sflag:s29], $0x1  }
0xba: {  	[sflag:s29] =	ssyncadd.s32 $0xFFFFFFFF  }
0xbb: {  	_ =	strace $0x90000048  }
0xbc: {  	_ =	sfence  }
0xbd: {  	s30 =	sld [smem:$0x0];
	_ =	sdelay $0x2  }
0xbe: {  	s31 =	sshll.u32 s1, $0xD;
	s1 =	sshrl.u32 s1, $0x2  }
0xbf: {  	s3 =	sand.u32 $0x4000, s31;
	s1 =	sadd.s32 s1, s30  }
0xc0: {  	s0 =	sor.u32 s3, s0;
	s1 =	sshll.u32 s1, $0x11  }
0xc1: {  	s0 =	sor.u32 s1, s0  }
0xc2: {  	s0 =	sadd.s32 $0x8F2B, s0  }
0xc3: {  	[sflag:s0] =	ssyncadd.remote.s32 $0x1  }
0xc4: {  	_ =	sfence.sel $0xFFFF  }
0xc5: {  	[dreg:$0x0] =	wrdreg $0xFFFFFFFF;
	(pc) =	sbr.abs _section_cstart, $3  }
0xc6: {  	[dreg:$0x1] =	wrdreg $0xFFFFFFFF  }
0xc7: {  	_ =	task.clear_ibuf [dreg:s7], $0x2FFFF;
	_ =	strace $0x9FFFFFFF  }
0xc8: {  	(tm) =	ssettm $0x7FFFFFFF  }
0xc9: {  	_ =	shalt  }
tec
execute0_lowered:
.L_overlay_start_1:
0x0: {  	(tag) =	ssettag $0x1  }
0x1: {  	s4 =	rddreg [dreg:$0x0]  }
0x2: {  	s5 =	rddreg [dreg:$0x1]  }
0x3: {  	s0 =	rddreg [dreg:$0x2]  }
0x4: {  	s3 =	srdreg.scid;
	s2 =	simm.s32 $0x0;
	s1 =	stileid.u32  }
0x5: {  	s10 =	simm.s32 $0x1;
	s11 =	simm.s32 $0x8100;
	s12 =	simm.s32 $0x0  }
0x6: {  	s6 =	sand.u32 $0x1, s3;
	[smem:$0x7FF] =	sst s2;
	s30 =	sshll.u32 s1, $0x9  }
0x7: {  	s3 =	sadd.s32 $0x20000, s4;
	s7 =	sshll.u32 s6, $0x8;
	s6 =	ssub.s32 $0x2, s6  }
0x8: {  	_ =	strace $0x80000047;
	s7 =	sor.u32 s7, s30;
	s9 =	sshrl.u32 s6, $0x1  }
0x9: {  	s8 =	sshll.u32 s7, $0x4;
	s7 =	sshrl.u32 s7, $0x3;
	s31 =	ssub.s32 s6, s9  }
0xa: {  	s9 =	simm.s32 $0x100;
	s4 =	sadd.s32 s4, s8;
	s5 =	sadd.s32 s5, s7  }
0xb: {  	s7 =	smax.u32 s31, $0x1;
	s8 =	simm.s32 $0x2;
	s6 =	sadd.s32 $0x40000, s4  }
.LBB2_1:
0xc: {  	[tilespmem:s2], [sflag:$0x2] =	stream.linear.gather [hbm4b:s5+s2], $0x100, $0x38;
	[tilespmem:$0x10100] =	vst v63  }
0xd: {  	_ =	swait.ge [sflag:s8], $0x100  }
0xe: {  	[sflag:s8] =	ssyncset.done $0x0  }
0xf: {  	[sflag:s8] =	ssyncadd.s32 $0xFFFFFF00  }
0x10: {  	[tilespmem:s9], [sflag:$0x1] =	stream.indirect.gather [hbm4b:s3+s9], $0x80, s2, s9, $0xb8;
	[tilespmem:$0x10100] =	vst v63  }
0x11: {  	_ =	swait.ge [sflag:s10], $0x8000  }
0x12: {  	[sflag:s10] =	ssyncset.done $0x0  }
0x13: {  	[sflag:s10] =	ssyncadd.s32 $0xFFFF8000  }
0x14: {  	[tilespmem:s11], [sflag:$0x2] =	stream.linear.gather [hbm4b:s4+s2], $0x8000, $0x38;
	[tilespmem:$0x10100] =	vst v63  }
0x15: {  	_ =	swait.ge [sflag:s8], $0x8000  }
0x16: {  	[sflag:s8] =	ssyncset.done $0x0  }
0x17: {  	s13 =	simm.s32 $0x0;
	[sflag:s8] =	ssyncadd.s32 $0xFFFF8000  }
0x18: {  	v0 =	vld [tilespmem:s13+$0x8100]  }
0x19: {  	v1 =	vld [tilespmem:s13+$0x8110]  }
0x1a: {  	s14 =	simm.s32 $0x200;
	v2 =	vld [tilespmem:s13+$0x100]  }
.LBB2_2:
0x1b: {  	p0 =	sne.s32 s14, $0x1FE00;
	v3 =	vld [tilespmem:s13+$0x110];
	_ =	sdelay $0x3  }
0x1c: {  	v2 =	vsub.f32 v2, v0  }
.Ltmp0:
0x1d: {  	v3 =	vsub.f32 v3, v1;
	(pc) =	sbr.rel @p0 .LBB2_2-.Ltmp0, $4  }
0x1e: {  	s15 =	sshra.s32 s14, $0x2;
	v2 =	vadd.f32 v2, v0  }
0x1f: {  	v0 =	vld [tilespmem:s15+$0x8100];
	v3 =	vadd.f32 v3, v1  }
0x20: {  	v1 =	vld [tilespmem:s15+$0x8110];
	[tilespmem:s13+$0x100] =	vst v2  }
0x21: {  	s14 =	sadd.s32 $0x200, s14;
	v2 =	vld [tilespmem:s15+$0x100];
	[tilespmem:s13+$0x110] =	vst v3;
	s13 =	smov.u32 s15  }
0x22: {  	v3 =	vld [tilespmem:s13+$0x110];
	_ =	sdelay $0x3  }
0x23: {  	v2 =	vsub.f32 v2, v0  }
0x24: {  	v3 =	vsub.f32 v3, v1  }
0x25: {  	v0 =	vadd.f32 v2, v0  }
0x26: {  	s12 =	sadd.s32 $0x1, s12;
	v1 =	vadd.f32 v3, v1  }
0x27: {  	p0 =	sne.s32 s12, s7;
	[tilespmem:s13+$0x100] =	vst v0  }
.Ltmp1:
0x28: {  	[tilespmem:s13+$0x110] =	vst v1;
	(pc) =	sbr.rel @p0 .LBB2_1-.Ltmp1, $4  }
0x29: {  	[hbm4b:s6+s2] =	stream.linear.scatter [tilespmem:s9], [sflag:$0x2], $0x8000, $0x38;
	[tilespmem:$0x10100] =	vst v63  }
0x2a: {  	_ =	swait.ge [sflag:s8], $0x8000  }
0x2b: {  	[sflag:s8] =	ssyncset.done $0x0  }
0x2c: {  	[sflag:s8] =	ssyncadd.s32 $0xFFFF8000  }
0x2d: {  	_ =	sfence.sel $0x180000  }
0x2e: {  	[bflag:$0x0] =	sbarrier.arrive $0xFFFF  }
0x2f: {  	p0 =	sne.s32 s1, $0x0;
	_ =	strace $0x90000047  }
0x30: {  	s0 =	sadd.s32 @!p0 $0x100000, s0;
	[bflag:$0x2] =	sbarrier.arrive $0xFFFF  }
0x31: {  	[sflag:s0] =	ssyncadd.tile.s32 @!p0 $0x1;
	_ =	shalt  }
.Lfunc_end2:
_tile_overlayer_lowered:
.L_overlay_start_2:
0x32: {  	(tag) =	ssettag $0x2  }
0x33: {  	s0 =	rddreg [dreg:$0x0];
	s2 =	stileid.u32  }
0x34: {  	s1 =	rddreg [dreg:$0x1];
	p0 =	sne.s32 s2, $0x0  }
0x35: {  	s3 =	rddreg [dreg:$0x2];
	[bflag:$0x3] =	sbarrier.arrive $0xFFFF;
	s2 =	simm.s32 @!p0 $0x1C02  }
0x36: {  	[timem:s3], [sflag:s2] =	dma.local @!p0 [hbm:s0], s1  }
0x37: {  	s0 =	simm.s32 @!p0 $0x2  }
0x38: {  	_ =	swait.ge @!p0 [sflag:s0], s1  }
0x39: {  	s1 =	ssub.s32 @!p0 $0x0, s1;
	[sflag:s0] =	ssyncset.done @!p0 $0x0  }
0x3a: {  	[sflag:s0] =	ssyncadd.s32 @!p0 s1  }
0x3b: {  	[bflag:$0x3] =	sbarrier.arrive $0xFFFF  }
0x3c: {  	_ =	shalt  }

</sc_bundles>
